<compile_context>
chip_gen: v7x
topology: tpu7x:2x2x1
jax: 0.10.2.dev20260603
libtpu: 0.0.44.dev20260713+nightly
codegen_flags: <defaults>
</compile_context>

<pallas_src>
import functools

import jax
import jax.numpy as jnp
from jax import lax
from jax.experimental import pallas as pl
from jax.experimental.pallas import tpu as pltpu
from jax.experimental.pallas import tpu_sc as plsc

B = 16384
D = 16
NC = 2
NS = 16
NW = NC * NS
B_PER_W = B // NW
LANES = 16


def _build():
    mesh = plsc.VectorSubcoreMesh(core_axis_name="c", subcore_axis_name="s")

    @functools.partial(
        pl.kernel,
        mesh=mesh,
        out_type=jax.ShapeDtypeStruct((2, D, B), jnp.float32),
        compiler_params=pltpu.CompilerParams(needs_layout_passes=False),
        scratch_types=[
            pltpu.VMEM((B_PER_W,), jnp.int32),
            pltpu.VMEM((B_PER_W,), jnp.int32),
            pltpu.VMEM((B_PER_W,), jnp.int32),
            pltpu.VMEM((B_PER_W,), jnp.int32),
            pltpu.VMEM((B_PER_W,), jnp.int32),
            pltpu.VMEM((B_PER_W,), jnp.int32),
            pltpu.VMEM((2, 24, D, 128), jnp.float32),
            pltpu.VMEM((D, B_PER_W), jnp.float32),
            pltpu.VMEM((D, B_PER_W), jnp.float32),
            pltpu.SemaphoreType.DMA,
            pltpu.SemaphoreType.DMA,
        ],
    )
    def emb_lookup(x0_hbm, x1_hbm, ut_hbm, it_hbm, out_hbm,
                   vidx_u, vidx_i, off_vu, off_vi, lane_vu, lane_vi,
                   blk, dst_u, dst_i,
                   sem_u, sem_i):
        wid = lax.axis_index("s") * NC + lax.axis_index("c")
        base = wid * B_PER_W
        pltpu.sync_copy(x0_hbm.at[pl.ds(base, B_PER_W)], vidx_u)
        pltpu.sync_copy(x1_hbm.at[pl.ds(base, B_PER_W)], vidx_i)

        row_iota = lax.iota(jnp.int32, LANES)

        def prep(g, _):
            sl = pl.ds(g * LANES, LANES)
            iu = vidx_u[sl]
            ii = vidx_i[sl]
            off_vu[sl] = (iu >> 7) << 7
            off_vi[sl] = (ii >> 7) << 7
            lane_vu[sl] = iu & 127
            lane_vi[sl] = ii & 127
            return 0

        lax.fori_loop(0, B_PER_W // LANES, prep, 0)

        def offsets(k):
            kvec = jnp.full((LANES,), k, jnp.int32)
            off_u = pl.multiple_of(plsc.load_gather(off_vu, [kvec])[0], 128)
            off_i = pl.multiple_of(plsc.load_gather(off_vi, [kvec])[0], 128)
            return kvec, off_u, off_i

        DEPTH = 24

        def issue(k):
            par = lax.rem(k, DEPTH)
            _, off_u, off_i = offsets(k)
            pltpu.async_copy(ut_hbm.at[:, pl.ds(off_u, 128)],
                             blk.at[0, par], sem_u)
            pltpu.async_copy(it_hbm.at[:, pl.ds(off_i, 128)],
                             blk.at[1, par], sem_i)

        def wait_and_extract(k):
            par = lax.rem(k, DEPTH)
            kvec, off_u, off_i = offsets(k)
            pltpu.make_async_copy(ut_hbm.at[:, pl.ds(off_u, 128)],
                                  blk.at[0, par], sem_u).wait()
            pltpu.make_async_copy(it_hbm.at[:, pl.ds(off_i, 128)],
                                  blk.at[1, par], sem_i).wait()
            lane_u = plsc.load_gather(lane_vu, [kvec])
            lane_i = plsc.load_gather(lane_vi, [kvec])
            col_u = plsc.load_gather(blk.at[0, par], [row_iota, lane_u])
            col_i = plsc.load_gather(blk.at[1, par], [row_iota, lane_i])
            plsc.store_scatter(dst_u, [row_iota, kvec], col_u)
            plsc.store_scatter(dst_i, [row_iota, kvec], col_i)

        def prologue(k, _):
            issue(k)
            return 0

        lax.fori_loop(0, 23, prologue, 0)

        def body(k, _):
            issue(k)
            wait_and_extract(k - 23)
            return 0

        lax.fori_loop(23, B_PER_W, body, 0)

        def epilogue(k, _):
            wait_and_extract(k)
            return 0

        lax.fori_loop(B_PER_W - 23, B_PER_W, epilogue, 0)

        pltpu.sync_copy(dst_u, out_hbm.at[0, :, pl.ds(base, B_PER_W)])
        pltpu.sync_copy(dst_i, out_hbm.at[1, :, pl.ds(base, B_PER_W)])

    return emb_lookup


_emb_lookup = _build()


@jax.jit
def kernel(x, uid_table, iid_table):
    x0 = x[:, 0]
    x1 = x[:, 1]
    out_t = _emb_lookup(x0, x1, uid_table.T, iid_table.T)
    return out_t.transpose(2, 0, 1)

# --- scband reference (transcript-rebuilt; emitter-appended) ---
"""Pipeline reference for scband-lookup-embedding-pretrain-65962107732354 (READ-ONLY COPY).

The authoritative reference and input builder live on the scoring server;
editing this copy changes nothing except your own understanding.
"""

import jax, jax.numpy as jnp
import numpy as np

B = 16384
UID_ALL = 1000000
IID_ALL = 1000000
EMB_DIM = 16


def setup_inputs(seed: int = 0) -> dict:
    key = jax.random.key(seed)
    k1, k2, k3 = jax.random.split(key, 3)
    x = jax.random.randint(k1, (B, 2), 0, UID_ALL, dtype=jnp.int32)
    uid_table = jax.random.normal(k2, (UID_ALL, EMB_DIM), dtype=jnp.float32) * 0.05
    iid_table = jax.random.normal(k3, (IID_ALL, EMB_DIM), dtype=jnp.float32) * 0.05
    return {"x": x, "uid_table": uid_table, "iid_table": iid_table}


def reference(x, uid_table, iid_table):
    # uid_emb = self.uid_embedding(x[:, 0].unsqueeze(1))  -> [B, 1, D]
    uid_emb = jnp.take(uid_table, x[:, 0], axis=0)[:, None, :]
    # iid_emb = self.iid_embedding(x[:, 1].unsqueeze(1))  -> [B, 1, D]
    iid_emb = jnp.take(iid_table, x[:, 1], axis=0)[:, None, :]
    # emb = torch.cat([uid_emb, iid_emb], dim=1)          -> [B, 2, D]
    emb = jnp.concatenate([uid_emb, iid_emb], axis=1)
    return emb

if __name__ == "__main__":
    import jax
    _d = setup_inputs()
    print(jax.jit(kernel)(*tuple(_d.values())))

</pallas_src>

<mosaic_0001>
#map = affine_map<(d0, d1) -> (0)>
#map1 = affine_map<(d0, d1) -> (0, 0)>
#map2 = affine_map<(d0, d1) -> (0, 0, 0)>
module attributes {stable_mosaic.version = 14 : i64} {
  func.func @emb_lookup(%arg0: i32, %arg1: i32, %arg2: memref<16384xi32, #tpu.memory_space<hbm>>, %arg3: memref<16384xi32, #tpu.memory_space<hbm>>, %arg4: memref<16x1000000xf32, #tpu.memory_space<hbm>>, %arg5: memref<16x1000000xf32, #tpu.memory_space<hbm>>, %arg6: memref<2x16x16384xf32, #tpu.memory_space<hbm>>, %arg7: memref<512xi32, #tpu.memory_space<vmem>>, %arg8: memref<512xi32, #tpu.memory_space<vmem>>, %arg9: memref<512xi32, #tpu.memory_space<vmem>>, %arg10: memref<512xi32, #tpu.memory_space<vmem>>, %arg11: memref<512xi32, #tpu.memory_space<vmem>>, %arg12: memref<512xi32, #tpu.memory_space<vmem>>, %arg13: memref<2x24x16x128xf32, #tpu.memory_space<vmem>>, %arg14: memref<16x512xf32, #tpu.memory_space<vmem>>, %arg15: memref<16x512xf32, #tpu.memory_space<vmem>>, %arg16: memref<!tpu.dma_semaphore, #tpu.memory_space<semaphore_mem>>, %arg17: memref<!tpu.dma_semaphore, #tpu.memory_space<semaphore_mem>>) attributes {dimension_semantics = [#tpu.dimension_semantics<core_parallel>, #tpu.dimension_semantics<subcore_parallel>], iteration_bounds = array<i64: 2, 16>, scalar_prefetch = 0 : i64, scratch_operands = 11 : i64, tpu.core_type = #tpu.core_type<sc_vector_subcore>, window_params = [{transform_indices = #map}, {transform_indices = #map}, {transform_indices = #map1}, {transform_indices = #map1}, {transform_indices = #map2}]} {
    %mul3A = arith.constant 2 : i32
    %mul3A_0 = arith.muli %arg1, %mul3A : i32
    %add3A = arith.addi %mul3A_0, %arg0 : i32
    %mul3A_1 = arith.constant 512 : i32
    %mul3A_2 = arith.muli %add3A, %mul3A_1 : i32
    "tpu.region"() ({
      %run_scoped3A_31 = tpu.sem_alloc : memref<!tpu.dma_semaphore, #tpu.memory_space<semaphore_mem>>
      %dma_start3A = tpu.memref_slice %arg2[%mul3A_2] : memref<16384xi32, #tpu.memory_space<hbm>> -> memref<512xi32, #tpu.memory_space<hbm>>
      %dma_start3A_32 = tpu.memref_slice %arg2[%mul3A_2] : memref<16384xi32, #tpu.memory_space<hbm>> -> memref<512xi32, #tpu.memory_space<hbm>>
      tpu.enqueue_dma source(%dma_start3A_32 : memref<512xi32, #tpu.memory_space<hbm>>) target(%arg7 : memref<512xi32, #tpu.memory_space<vmem>>) target_semaphore(%run_scoped3A_31 : memref<!tpu.dma_semaphore, #tpu.memory_space<semaphore_mem>>)
      %dma_wait3A = tpu.memref_slice %arg2[%mul3A_2] : memref<16384xi32, #tpu.memory_space<hbm>> -> memref<512xi32, #tpu.memory_space<hbm>>
      %dma_wait3A_33 = tpu.memref_slice %arg2[%mul3A_2] : memref<16384xi32, #tpu.memory_space<hbm>> -> memref<512xi32, #tpu.memory_space<hbm>>
      tpu.wait_dma2 semaphore(%run_scoped3A_31 : memref<!tpu.dma_semaphore, #tpu.memory_space<semaphore_mem>>) src(%dma_wait3A_33 : memref<512xi32, #tpu.memory_space<hbm>>) dst(%arg7 : memref<512xi32, #tpu.memory_space<vmem>>)
      tpu.yield
    }) : () -> ()
    "tpu.region"() ({
      %run_scoped3A_31 = tpu.sem_alloc : memref<!tpu.dma_semaphore, #tpu.memory_space<semaphore_mem>>
      %dma_start3A = tpu.memref_slice %arg3[%mul3A_2] : memref<16384xi32, #tpu.memory_space<hbm>> -> memref<512xi32, #tpu.memory_space<hbm>>
      %dma_start3A_32 = tpu.memref_slice %arg3[%mul3A_2] : memref<16384xi32, #tpu.memory_space<hbm>> -> memref<512xi32, #tpu.memory_space<hbm>>
      tpu.enqueue_dma source(%dma_start3A_32 : memref<512xi32, #tpu.memory_space<hbm>>) target(%arg8 : memref<512xi32, #tpu.memory_space<vmem>>) target_semaphore(%run_scoped3A_31 : memref<!tpu.dma_semaphore, #tpu.memory_space<semaphore_mem>>)
      %dma_wait3A = tpu.memref_slice %arg3[%mul3A_2] : memref<16384xi32, #tpu.memory_space<hbm>> -> memref<512xi32, #tpu.memory_space<hbm>>
      %dma_wait3A_33 = tpu.memref_slice %arg3[%mul3A_2] : memref<16384xi32, #tpu.memory_space<hbm>> -> memref<512xi32, #tpu.memory_space<hbm>>
      tpu.wait_dma2 semaphore(%run_scoped3A_31 : memref<!tpu.dma_semaphore, #tpu.memory_space<semaphore_mem>>) src(%dma_wait3A_33 : memref<512xi32, #tpu.memory_space<hbm>>) dst(%arg8 : memref<512xi32, #tpu.memory_space<vmem>>)
      tpu.yield
    }) : () -> ()
    %iota3A = tpu.iota {dimensions = array<i32: 0>} : vector<16xi32>
    %scan3A = arith.constant 0 : i32
    %scan3A_3 = arith.constant 0 : i32
    %scan3A_4 = arith.constant 32 : i32
    %scan3A_5 = arith.addi %scan3A_3, %scan3A_4 : i32
    %scan3A_6 = arith.constant 1 : i32
    %scan3A_7 = scf.for %scan3A_31 = %scan3A_3 to %scan3A_5 step %scan3A_6 iter_args(%scan3A_32 = %scan3A) -> (i32)  : i32 {
      %mul3A_33 = arith.constant 16 : i32
      %mul3A_34 = arith.muli %scan3A_31, %mul3A_33 : i32
      %get3A = arith.index_cast %mul3A_34 : i32 to index
      %get3A_35 = tpu.vector_load %arg7[%get3A] {strides = array<i32>} : memref<512xi32, #tpu.memory_space<vmem>>, vector<16xi32>,
      %get3A_36 = arith.index_cast %mul3A_34 : i32 to index
      %get3A_37 = tpu.vector_load %arg8[%get3A_36] {strides = array<i32>} : memref<512xi32, #tpu.memory_space<vmem>>, vector<16xi32>,
      %shift_right_arithmetic3A = arith.constant 7 : i32
      %shift_right_arithmetic3A_38 = vector.broadcast %shift_right_arithmetic3A : i32 to vector<16xi32>
      %shift_right_arithmetic3A_39 = arith.shrsi %get3A_35, %shift_right_arithmetic3A_38 : vector<16xi32>
      %shift_left3A = arith.constant 7 : i32
      %shift_left3A_40 = vector.broadcast %shift_left3A : i32 to vector<16xi32>
      %shift_left3A_41 = arith.shli %shift_right_arithmetic3A_39, %shift_left3A_40 : vector<16xi32>
      %swap3A = arith.index_cast %mul3A_34 : i32 to index
      %swap3A_42 = tpu.vector_load %arg9[%swap3A] {strides = array<i32>} : memref<512xi32, #tpu.memory_space<vmem>>, vector<16xi32>,
      tpu.vector_store %arg9[%swap3A], %shift_left3A_41 {strides = array<i32>} : memref<512xi32, #tpu.memory_space<vmem>>, vector<16xi32>,
      %shift_right_arithmetic3A_43 = arith.constant 7 : i32
      %shift_right_arithmetic3A_44 = vector.broadcast %shift_right_arithmetic3A_43 : i32 to vector<16xi32>
      %shift_right_arithmetic3A_45 = arith.shrsi %get3A_37, %shift_right_arithmetic3A_44 : vector<16xi32>
      %shift_left3A_46 = arith.constant 7 : i32
      %shift_left3A_47 = vector.broadcast %shift_left3A_46 : i32 to vector<16xi32>
      %shift_left3A_48 = arith.shli %shift_right_arithmetic3A_45, %shift_left3A_47 : vector<16xi32>
      %swap3A_49 = arith.index_cast %mul3A_34 : i32 to index
      %swap3A_50 = tpu.vector_load %arg10[%swap3A_49] {strides = array<i32>} : memref<512xi32, #tpu.memory_space<vmem>>, vector<16xi32>,
      tpu.vector_store %arg10[%swap3A_49], %shift_left3A_48 {strides = array<i32>} : memref<512xi32, #tpu.memory_space<vmem>>, vector<16xi32>,
      %and3A = arith.constant 127 : i32
      %and3A_51 = vector.broadcast %and3A : i32 to vector<16xi32>
      %and3A_52 = arith.andi %get3A_35, %and3A_51 : vector<16xi32>
      %swap3A_53 = arith.index_cast %mul3A_34 : i32 to index
      %swap3A_54 = tpu.vector_load %arg11[%swap3A_53] {strides = array<i32>} : memref<512xi32, #tpu.memory_space<vmem>>, vector<16xi32>,
      tpu.vector_store %arg11[%swap3A_53], %and3A_52 {strides = array<i32>} : memref<512xi32, #tpu.memory_space<vmem>>, vector<16xi32>,
      %and3A_55 = arith.constant 127 : i32
      %and3A_56 = vector.broadcast %and3A_55 : i32 to vector<16xi32>
      %and3A_57 = arith.andi %get3A_37, %and3A_56 : vector<16xi32>
      %swap3A_58 = arith.index_cast %mul3A_34 : i32 to index
      %swap3A_59 = tpu.vector_load %arg12[%swap3A_58] {strides = array<i32>} : memref<512xi32, #tpu.memory_space<vmem>>, vector<16xi32>,
      tpu.vector_store %arg12[%swap3A_58], %and3A_57 {strides = array<i32>} : memref<512xi32, #tpu.memory_space<vmem>>, vector<16xi32>,
      %scan3A_60 = arith.constant 0 : i32
      scf.yield %scan3A_60 : i32
    }
    %scan3A_8 = arith.constant 32 : i32
    %scan3A_9 = arith.constant 0 : i32
    %scan3A_10 = arith.constant 0 : i32
    %scan3A_11 = arith.constant 23 : i32
    %scan3A_12 = arith.addi %scan3A_10, %scan3A_11 : i32
    %scan3A_13 = arith.constant 1 : i32
    %scan3A_14 = scf.for %scan3A_31 = %scan3A_10 to %scan3A_12 step %scan3A_13 iter_args(%scan3A_32 = %scan3A_9) -> (i32)  : i32 {
      %rem3A = arith.constant 24 : i32
      %rem3A_33 = arith.remsi %scan3A_31, %rem3A : i32
      %broadcast_in_dim3A = vector.broadcast %scan3A_31 : i32 to vector<16xi32>
      %gather3A = tpu.vector_load_idx %arg9[%broadcast_in_dim3A] : memref<512xi32, #tpu.memory_space<vmem>>[vector<16xi32>], vector<16xi32>,
      %slice3A = vector.extract_strided_slice %gather3A {offsets = [0], sizes = [1], strides = [1]} : vector<16xi32> to vector<1xi32>
      %squeeze3A = vector.extract %slice3A[0] : i32 from vector<1xi32>
      %multiple_of3A = tpu.assume_multiple %squeeze3A, 128 : i32
      %gather3A_34 = tpu.vector_load_idx %arg10[%broadcast_in_dim3A] : memref<512xi32, #tpu.memory_space<vmem>>[vector<16xi32>], vector<16xi32>,
      %slice3A_35 = vector.extract_strided_slice %gather3A_34 {offsets = [0], sizes = [1], strides = [1]} : vector<16xi32> to vector<1xi32>
      %squeeze3A_36 = vector.extract %slice3A_35[0] : i32 from vector<1xi32>
      %multiple_of3A_37 = tpu.assume_multiple %squeeze3A_36, 128 : i32
      %dma_start3A = arith.constant 0 : i32
      %dma_start3A_38 = arith.constant 0 : i32
      %dma_start3A_39 = arith.constant 0 : i32
      %dma_start3A_40 = tpu.memref_slice %arg13[%dma_start3A, %rem3A_33, %dma_start3A_38, %dma_start3A_39] : memref<2x24x16x128xf32, #tpu.memory_space<vmem>> -> memref<1x1x16x128xf32, #tpu.memory_space<vmem>>
      %dma_start3A_41 = tpu.memref_squeeze %dma_start3A_40 : memref<1x1x16x128xf32, #tpu.memory_space<vmem>> -> memref<16x128xf32, #tpu.memory_space<vmem>>
      %dma_start3A_42 = arith.constant 0 : i32
      %dma_start3A_43 = tpu.memref_slice %arg4[%dma_start3A_42, %multiple_of3A] : memref<16x1000000xf32, #tpu.memory_space<hbm>> -> memref<16x128xf32, #tpu.memory_space<hbm>>
      %dma_start3A_44 = arith.constant 0 : i32
      %dma_start3A_45 = arith.constant 0 : i32
      %dma_start3A_46 = tpu.memref_slice %arg13[%dma_start3A, %rem3A_33, %dma_start3A_44, %dma_start3A_45] : memref<2x24x16x128xf32, #tpu.memory_space<vmem>> -> memref<1x1x16x128xf32, #tpu.memory_space<vmem>>
      %dma_start3A_47 = tpu.memref_squeeze %dma_start3A_46 : memref<1x1x16x128xf32, #tpu.memory_space<vmem>> -> memref<16x128xf32, #tpu.memory_space<vmem>>
      %dma_start3A_48 = arith.constant 0 : i32
      %dma_start3A_49 = tpu.memref_slice %arg4[%dma_start3A_48, %multiple_of3A] : memref<16x1000000xf32, #tpu.memory_space<hbm>> -> memref<16x128xf32, #tpu.memory_space<hbm>>
      tpu.enqueue_dma source(%dma_start3A_49 : memref<16x128xf32, #tpu.memory_space<hbm>>) target(%dma_start3A_47 : memref<16x128xf32, #tpu.memory_space<vmem>>) target_semaphore(%arg16 : memref<!tpu.dma_semaphore, #tpu.memory_space<semaphore_mem>>)
      %dma_start3A_50 = arith.constant 1 : i32
      %dma_start3A_51 = arith.constant 0 : i32
      %dma_start3A_52 = arith.constant 0 : i32
      %dma_start3A_53 = tpu.memref_slice %arg13[%dma_start3A_50, %rem3A_33, %dma_start3A_51, %dma_start3A_52] : memref<2x24x16x128xf32, #tpu.memory_space<vmem>> -> memref<1x1x16x128xf32, #tpu.memory_space<vmem>>
      %dma_start3A_54 = tpu.memref_squeeze %dma_start3A_53 : memref<1x1x16x128xf32, #tpu.memory_space<vmem>> -> memref<16x128xf32, #tpu.memory_space<vmem>>
      %dma_start3A_55 = arith.constant 0 : i32
      %dma_start3A_56 = tpu.memref_slice %arg5[%dma_start3A_55, %multiple_of3A_37] : memref<16x1000000xf32, #tpu.memory_space<hbm>> -> memref<16x128xf32, #tpu.memory_space<hbm>>
      %dma_start3A_57 = arith.constant 0 : i32
      %dma_start3A_58 = arith.constant 0 : i32
      %dma_start3A_59 = tpu.memref_slice %arg13[%dma_start3A_50, %rem3A_33, %dma_start3A_57, %dma_start3A_58] : memref<2x24x16x128xf32, #tpu.memory_space<vmem>> -> memref<1x1x16x128xf32, #tpu.memory_space<vmem>>
      %dma_start3A_60 = tpu.memref_squeeze %dma_start3A_59 : memref<1x1x16x128xf32, #tpu.memory_space<vmem>> -> memref<16x128xf32, #tpu.memory_space<vmem>>
      %dma_start3A_61 = arith.constant 0 : i32
      %dma_start3A_62 = tpu.memref_slice %arg5[%dma_start3A_61, %multiple_of3A_37] : memref<16x1000000xf32, #tpu.memory_space<hbm>> -> memref<16x128xf32, #tpu.memory_space<hbm>>
      tpu.enqueue_dma source(%dma_start3A_62 : memref<16x128xf32, #tpu.memory_space<hbm>>) target(%dma_start3A_60 : memref<16x128xf32, #tpu.memory_space<vmem>>) target_semaphore(%arg17 : memref<!tpu.dma_semaphore, #tpu.memory_space<semaphore_mem>>)
      %scan3A_63 = arith.constant 0 : i32
      scf.yield %scan3A_63 : i32
    }
    %scan3A_15 = arith.constant 23 : i32
    %scan3A_16 = arith.constant 0 : i32
    %scan3A_17 = arith.constant 23 : i32
    %scan3A_18 = arith.constant 489 : i32
    %scan3A_19 = arith.addi %scan3A_17, %scan3A_18 : i32
    %scan3A_20 = arith.constant 1 : i32
    %scan3A_21 = scf.for %scan3A_31 = %scan3A_17 to %scan3A_19 step %scan3A_20 iter_args(%scan3A_32 = %scan3A_16) -> (i32)  : i32 {
      %rem3A = arith.constant 24 : i32
      %rem3A_33 = arith.remsi %scan3A_31, %rem3A : i32
      %broadcast_in_dim3A = vector.broadcast %scan3A_31 : i32 to vector<16xi32>
      %gather3A = tpu.vector_load_idx %arg9[%broadcast_in_dim3A] : memref<512xi32, #tpu.memory_space<vmem>>[vector<16xi32>], vector<16xi32>,
      %slice3A = vector.extract_strided_slice %gather3A {offsets = [0], sizes = [1], strides = [1]} : vector<16xi32> to vector<1xi32>
      %squeeze3A = vector.extract %slice3A[0] : i32 from vector<1xi32>
      %multiple_of3A = tpu.assume_multiple %squeeze3A, 128 : i32
      %gather3A_34 = tpu.vector_load_idx %arg10[%broadcast_in_dim3A] : memref<512xi32, #tpu.memory_space<vmem>>[vector<16xi32>], vector<16xi32>,
      %slice3A_35 = vector.extract_strided_slice %gather3A_34 {offsets = [0], sizes = [1], strides = [1]} : vector<16xi32> to vector<1xi32>
      %squeeze3A_36 = vector.extract %slice3A_35[0] : i32 from vector<1xi32>
      %multiple_of3A_37 = tpu.assume_multiple %squeeze3A_36, 128 : i32
      %dma_start3A = arith.constant 0 : i32
      %dma_start3A_38 = arith.constant 0 : i32
      %dma_start3A_39 = arith.constant 0 : i32
      %dma_start3A_40 = tpu.memref_slice %arg13[%dma_start3A, %rem3A_33, %dma_start3A_38, %dma_start3A_39] : memref<2x24x16x128xf32, #tpu.memory_space<vmem>> -> memref<1x1x16x128xf32, #tpu.memory_space<vmem>>
      %dma_start3A_41 = tpu.memref_squeeze %dma_start3A_40 : memref<1x1x16x128xf32, #tpu.memory_space<vmem>> -> memref<16x128xf32, #tpu.memory_space<vmem>>
      %dma_start3A_42 = arith.constant 0 : i32
      %dma_start3A_43 = tpu.memref_slice %arg4[%dma_start3A_42, %multiple_of3A] : memref<16x1000000xf32, #tpu.memory_space<hbm>> -> memref<16x128xf32, #tpu.memory_space<hbm>>
      %dma_start3A_44 = arith.constant 0 : i32
      %dma_start3A_45 = arith.constant 0 : i32
      %dma_start3A_46 = tpu.memref_slice %arg13[%dma_start3A, %rem3A_33, %dma_start3A_44, %dma_start3A_45] : memref<2x24x16x128xf32, #tpu.memory_space<vmem>> -> memref<1x1x16x128xf32, #tpu.memory_space<vmem>>
      %dma_start3A_47 = tpu.memref_squeeze %dma_start3A_46 : memref<1x1x16x128xf32, #tpu.memory_space<vmem>> -> memref<16x128xf32, #tpu.memory_space<vmem>>
      %dma_start3A_48 = arith.constant 0 : i32
      %dma_start3A_49 = tpu.memref_slice %arg4[%dma_start3A_48, %multiple_of3A] : memref<16x1000000xf32, #tpu.memory_space<hbm>> -> memref<16x128xf32, #tpu.memory_space<hbm>>
      tpu.enqueue_dma source(%dma_start3A_49 : memref<16x128xf32, #tpu.memory_space<hbm>>) target(%dma_start3A_47 : memref<16x128xf32, #tpu.memory_space<vmem>>) target_semaphore(%arg16 : memref<!tpu.dma_semaphore, #tpu.memory_space<semaphore_mem>>)
      %dma_start3A_50 = arith.constant 1 : i32
      %dma_start3A_51 = arith.constant 0 : i32
      %dma_start3A_52 = arith.constant 0 : i32
      %dma_start3A_53 = tpu.memref_slice %arg13[%dma_start3A_50, %rem3A_33, %dma_start3A_51, %dma_start3A_52] : memref<2x24x16x128xf32, #tpu.memory_space<vmem>> -> memref<1x1x16x128xf32, #tpu.memory_space<vmem>>
      %dma_start3A_54 = tpu.memref_squeeze %dma_start3A_53 : memref<1x1x16x128xf32, #tpu.memory_space<vmem>> -> memref<16x128xf32, #tpu.memory_space<vmem>>
      %dma_start3A_55 = arith.constant 0 : i32
      %dma_start3A_56 = tpu.memref_slice %arg5[%dma_start3A_55, %multiple_of3A_37] : memref<16x1000000xf32, #tpu.memory_space<hbm>> -> memref<16x128xf32, #tpu.memory_space<hbm>>
      %dma_start3A_57 = arith.constant 0 : i32
      %dma_start3A_58 = arith.constant 0 : i32
      %dma_start3A_59 = tpu.memref_slice %arg13[%dma_start3A_50, %rem3A_33, %dma_start3A_57, %dma_start3A_58] : memref<2x24x16x128xf32, #tpu.memory_space<vmem>> -> memref<1x1x16x128xf32, #tpu.memory_space<vmem>>
      %dma_start3A_60 = tpu.memref_squeeze %dma_start3A_59 : memref<1x1x16x128xf32, #tpu.memory_space<vmem>> -> memref<16x128xf32, #tpu.memory_space<vmem>>
      %dma_start3A_61 = arith.constant 0 : i32
      %dma_start3A_62 = tpu.memref_slice %arg5[%dma_start3A_61, %multiple_of3A_37] : memref<16x1000000xf32, #tpu.memory_space<hbm>> -> memref<16x128xf32, #tpu.memory_space<hbm>>
      tpu.enqueue_dma source(%dma_start3A_62 : memref<16x128xf32, #tpu.memory_space<hbm>>) target(%dma_start3A_60 : memref<16x128xf32, #tpu.memory_space<vmem>>) target_semaphore(%arg17 : memref<!tpu.dma_semaphore, #tpu.memory_space<semaphore_mem>>)
      %sub3A = arith.constant 23 : i32
      %sub3A_63 = arith.subi %scan3A_31, %sub3A : i32
      %rem3A_64 = arith.constant 24 : i32
      %rem3A_65 = arith.remsi %sub3A_63, %rem3A_64 : i32
      %broadcast_in_dim3A_66 = vector.broadcast %sub3A_63 : i32 to vector<16xi32>
      %gather3A_67 = tpu.vector_load_idx %arg9[%broadcast_in_dim3A_66] : memref<512xi32, #tpu.memory_space<vmem>>[vector<16xi32>], vector<16xi32>,
      %slice3A_68 = vector.extract_strided_slice %gather3A_67 {offsets = [0], sizes = [1], strides = [1]} : vector<16xi32> to vector<1xi32>
      %squeeze3A_69 = vector.extract %slice3A_68[0] : i32 from vector<1xi32>
      %multiple_of3A_70 = tpu.assume_multiple %squeeze3A_69, 128 : i32
      %gather3A_71 = tpu.vector_load_idx %arg10[%broadcast_in_dim3A_66] : memref<512xi32, #tpu.memory_space<vmem>>[vector<16xi32>], vector<16xi32>,
      %slice3A_72 = vector.extract_strided_slice %gather3A_71 {offsets = [0], sizes = [1], strides = [1]} : vector<16xi32> to vector<1xi32>
      %squeeze3A_73 = vector.extract %slice3A_72[0] : i32 from vector<1xi32>
      %multiple_of3A_74 = tpu.assume_multiple %squeeze3A_73, 128 : i32
      %dma_wait3A = arith.constant 0 : i32
      %dma_wait3A_75 = arith.constant 0 : i32
      %dma_wait3A_76 = arith.constant 0 : i32
      %dma_wait3A_77 = tpu.memref_slice %arg13[%dma_wait3A, %rem3A_65, %dma_wait3A_75, %dma_wait3A_76] : memref<2x24x16x128xf32, #tpu.memory_space<vmem>> -> memref<1x1x16x128xf32, #tpu.memory_space<vmem>>
      %dma_wait3A_78 = tpu.memref_squeeze %dma_wait3A_77 : memref<1x1x16x128xf32, #tpu.memory_space<vmem>> -> memref<16x128xf32, #tpu.memory_space<vmem>>
      %dma_wait3A_79 = arith.constant 0 : i32
      %dma_wait3A_80 = tpu.memref_slice %arg4[%dma_wait3A_79, %multiple_of3A_70] : memref<16x1000000xf32, #tpu.memory_space<hbm>> -> memref<16x128xf32, #tpu.memory_space<hbm>>
      %dma_wait3A_81 = arith.constant 0 : i32
      %dma_wait3A_82 = arith.constant 0 : i32
      %dma_wait3A_83 = tpu.memref_slice %arg13[%dma_wait3A, %rem3A_65, %dma_wait3A_81, %dma_wait3A_82] : memref<2x24x16x128xf32, #tpu.memory_space<vmem>> -> memref<1x1x16x128xf32, #tpu.memory_space<vmem>>
      %dma_wait3A_84 = tpu.memref_squeeze %dma_wait3A_83 : memref<1x1x16x128xf32, #tpu.memory_space<vmem>> -> memref<16x128xf32, #tpu.memory_space<vmem>>
      %dma_wait3A_85 = arith.constant 0 : i32
      %dma_wait3A_86 = tpu.memref_slice %arg4[%dma_wait3A_85, %multiple_of3A_70] : memref<16x1000000xf32, #tpu.memory_space<hbm>> -> memref<16x128xf32, #tpu.memory_space<hbm>>
      tpu.wait_dma2 semaphore(%arg16 : memref<!tpu.dma_semaphore, #tpu.memory_space<semaphore_mem>>) src(%dma_wait3A_86 : memref<16x128xf32, #tpu.memory_space<hbm>>) dst(%dma_wait3A_84 : memref<16x128xf32, #tpu.memory_space<vmem>>)
      %dma_wait3A_87 = arith.constant 1 : i32
      %dma_wait3A_88 = arith.constant 0 : i32
      %dma_wait3A_89 = arith.constant 0 : i32
      %dma_wait3A_90 = tpu.memref_slice %arg13[%dma_wait3A_87, %rem3A_65, %dma_wait3A_88, %dma_wait3A_89] : memref<2x24x16x128xf32, #tpu.memory_space<vmem>> -> memref<1x1x16x128xf32, #tpu.memory_space<vmem>>
      %dma_wait3A_91 = tpu.memref_squeeze %dma_wait3A_90 : memref<1x1x16x128xf32, #tpu.memory_space<vmem>> -> memref<16x128xf32, #tpu.memory_space<vmem>>
      %dma_wait3A_92 = arith.constant 0 : i32
      %dma_wait3A_93 = tpu.memref_slice %arg5[%dma_wait3A_92, %multiple_of3A_74] : memref<16x1000000xf32, #tpu.memory_space<hbm>> -> memref<16x128xf32, #tpu.memory_space<hbm>>
      %dma_wait3A_94 = arith.constant 0 : i32
      %dma_wait3A_95 = arith.constant 0 : i32
      %dma_wait3A_96 = tpu.memref_slice %arg13[%dma_wait3A_87, %rem3A_65, %dma_wait3A_94, %dma_wait3A_95] : memref<2x24x16x128xf32, #tpu.memory_space<vmem>> -> memref<1x1x16x128xf32, #tpu.memory_space<vmem>>
      %dma_wait3A_97 = tpu.memref_squeeze %dma_wait3A_96 : memref<1x1x16x128xf32, #tpu.memory_space<vmem>> -> memref<16x128xf32, #tpu.memory_space<vmem>>
      %dma_wait3A_98 = arith.constant 0 : i32
      %dma_wait3A_99 = tpu.memref_slice %arg5[%dma_wait3A_98, %multiple_of3A_74] : memref<16x1000000xf32, #tpu.memory_space<hbm>> -> memref<16x128xf32, #tpu.memory_space<hbm>>
      tpu.wait_dma2 semaphore(%arg17 : memref<!tpu.dma_semaphore, #tpu.memory_space<semaphore_mem>>) src(%dma_wait3A_99 : memref<16x128xf32, #tpu.memory_space<hbm>>) dst(%dma_wait3A_97 : memref<16x128xf32, #tpu.memory_space<vmem>>)
      %gather3A_100 = tpu.vector_load_idx %arg11[%broadcast_in_dim3A_66] : memref<512xi32, #tpu.memory_space<vmem>>[vector<16xi32>], vector<16xi32>,
      %gather3A_101 = tpu.vector_load_idx %arg12[%broadcast_in_dim3A_66] : memref<512xi32, #tpu.memory_space<vmem>>[vector<16xi32>], vector<16xi32>,
      %gather3A_102 = arith.constant 0 : i32
      %gather3A_103 = arith.constant 0 : i32
      %gather3A_104 = arith.constant 0 : i32
      %gather3A_105 = tpu.memref_slice %arg13[%gather3A_102, %rem3A_65, %gather3A_103, %gather3A_104] : memref<2x24x16x128xf32, #tpu.memory_space<vmem>> -> memref<1x1x16x128xf32, #tpu.memory_space<vmem>>
      %gather3A_106 = tpu.memref_squeeze %gather3A_105 : memref<1x1x16x128xf32, #tpu.memory_space<vmem>> -> memref<16x128xf32, #tpu.memory_space<vmem>>
      %gather3A_107 = tpu.vector_load_idx %gather3A_106[%iota3A, %gather3A_100] : memref<16x128xf32, #tpu.memory_space<vmem>>[vector<16xi32>, vector<16xi32>], vector<16xf32>,
      %gather3A_108 = arith.constant 1 : i32
      %gather3A_109 = arith.constant 0 : i32
      %gather3A_110 = arith.constant 0 : i32
      %gather3A_111 = tpu.memref_slice %arg13[%gather3A_108, %rem3A_65, %gather3A_109, %gather3A_110] : memref<2x24x16x128xf32, #tpu.memory_space<vmem>> -> memref<1x1x16x128xf32, #tpu.memory_space<vmem>>
      %gather3A_112 = tpu.memref_squeeze %gather3A_111 : memref<1x1x16x128xf32, #tpu.memory_space<vmem>> -> memref<16x128xf32, #tpu.memory_space<vmem>>
      %gather3A_113 = tpu.vector_load_idx %gather3A_112[%iota3A, %gather3A_101] : memref<16x128xf32, #tpu.memory_space<vmem>>[vector<16xi32>, vector<16xi32>], vector<16xf32>,
      tpu.vector_store_idx %arg14[%iota3A, %broadcast_in_dim3A_66], %gather3A_107 : memref<16x512xf32, #tpu.memory_space<vmem>>[vector<16xi32>, vector<16xi32>], vector<16xf32>,
      tpu.vector_store_idx %arg15[%iota3A, %broadcast_in_dim3A_66], %gather3A_113 : memref<16x512xf32, #tpu.memory_space<vmem>>[vector<16xi32>, vector<16xi32>], vector<16xf32>,
      %scan3A_114 = arith.constant 0 : i32
      scf.yield %scan3A_114 : i32
    }
    %scan3A_22 = arith.constant 489 : i32
    %scan3A_23 = arith.constant 0 : i32
    %scan3A_24 = arith.constant 489 : i32
    %scan3A_25 = arith.constant 23 : i32
    %scan3A_26 = arith.addi %scan3A_24, %scan3A_25 : i32
    %scan3A_27 = arith.constant 1 : i32
    %scan3A_28 = scf.for %scan3A_31 = %scan3A_24 to %scan3A_26 step %scan3A_27 iter_args(%scan3A_32 = %scan3A_23) -> (i32)  : i32 {
      %rem3A = arith.constant 24 : i32
      %rem3A_33 = arith.remsi %scan3A_31, %rem3A : i32
      %broadcast_in_dim3A = vector.broadcast %scan3A_31 : i32 to vector<16xi32>
      %gather3A = tpu.vector_load_idx %arg9[%broadcast_in_dim3A] : memref<512xi32, #tpu.memory_space<vmem>>[vector<16xi32>], vector<16xi32>,
      %slice3A = vector.extract_strided_slice %gather3A {offsets = [0], sizes = [1], strides = [1]} : vector<16xi32> to vector<1xi32>
      %squeeze3A = vector.extract %slice3A[0] : i32 from vector<1xi32>
      %multiple_of3A = tpu.assume_multiple %squeeze3A, 128 : i32
      %gather3A_34 = tpu.vector_load_idx %arg10[%broadcast_in_dim3A] : memref<512xi32, #tpu.memory_space<vmem>>[vector<16xi32>], vector<16xi32>,
      %slice3A_35 = vector.extract_strided_slice %gather3A_34 {offsets = [0], sizes = [1], strides = [1]} : vector<16xi32> to vector<1xi32>
      %squeeze3A_36 = vector.extract %slice3A_35[0] : i32 from vector<1xi32>
      %multiple_of3A_37 = tpu.assume_multiple %squeeze3A_36, 128 : i32
      %dma_wait3A = arith.constant 0 : i32
      %dma_wait3A_38 = arith.constant 0 : i32
      %dma_wait3A_39 = arith.constant 0 : i32
      %dma_wait3A_40 = tpu.memref_slice %arg13[%dma_wait3A, %rem3A_33, %dma_wait3A_38, %dma_wait3A_39] : memref<2x24x16x128xf32, #tpu.memory_space<vmem>> -> memref<1x1x16x128xf32, #tpu.memory_space<vmem>>
      %dma_wait3A_41 = tpu.memref_squeeze %dma_wait3A_40 : memref<1x1x16x128xf32, #tpu.memory_space<vmem>> -> memref<16x128xf32, #tpu.memory_space<vmem>>
      %dma_wait3A_42 = arith.constant 0 : i32
      %dma_wait3A_43 = tpu.memref_slice %arg4[%dma_wait3A_42, %multiple_of3A] : memref<16x1000000xf32, #tpu.memory_space<hbm>> -> memref<16x128xf32, #tpu.memory_space<hbm>>
      %dma_wait3A_44 = arith.constant 0 : i32
      %dma_wait3A_45 = arith.constant 0 : i32
      %dma_wait3A_46 = tpu.memref_slice %arg13[%dma_wait3A, %rem3A_33, %dma_wait3A_44, %dma_wait3A_45] : memref<2x24x16x128xf32, #tpu.memory_space<vmem>> -> memref<1x1x16x128xf32, #tpu.memory_space<vmem>>
      %dma_wait3A_47 = tpu.memref_squeeze %dma_wait3A_46 : memref<1x1x16x128xf32, #tpu.memory_space<vmem>> -> memref<16x128xf32, #tpu.memory_space<vmem>>
      %dma_wait3A_48 = arith.constant 0 : i32
      %dma_wait3A_49 = tpu.memref_slice %arg4[%dma_wait3A_48, %multiple_of3A] : memref<16x1000000xf32, #tpu.memory_space<hbm>> -> memref<16x128xf32, #tpu.memory_space<hbm>>
      tpu.wait_dma2 semaphore(%arg16 : memref<!tpu.dma_semaphore, #tpu.memory_space<semaphore_mem>>) src(%dma_wait3A_49 : memref<16x128xf32, #tpu.memory_space<hbm>>) dst(%dma_wait3A_47 : memref<16x128xf32, #tpu.memory_space<vmem>>)
      %dma_wait3A_50 = arith.constant 1 : i32
      %dma_wait3A_51 = arith.constant 0 : i32
      %dma_wait3A_52 = arith.constant 0 : i32
      %dma_wait3A_53 = tpu.memref_slice %arg13[%dma_wait3A_50, %rem3A_33, %dma_wait3A_51, %dma_wait3A_52] : memref<2x24x16x128xf32, #tpu.memory_space<vmem>> -> memref<1x1x16x128xf32, #tpu.memory_space<vmem>>
      %dma_wait3A_54 = tpu.memref_squeeze %dma_wait3A_53 : memref<1x1x16x128xf32, #tpu.memory_space<vmem>> -> memref<16x128xf32, #tpu.memory_space<vmem>>
      %dma_wait3A_55 = arith.constant 0 : i32
      %dma_wait3A_56 = tpu.memref_slice %arg5[%dma_wait3A_55, %multiple_of3A_37] : memref<16x1000000xf32, #tpu.memory_space<hbm>> -> memref<16x128xf32, #tpu.memory_space<hbm>>
      %dma_wait3A_57 = arith.constant 0 : i32
      %dma_wait3A_58 = arith.constant 0 : i32
      %dma_wait3A_59 = tpu.memref_slice %arg13[%dma_wait3A_50, %rem3A_33, %dma_wait3A_57, %dma_wait3A_58] : memref<2x24x16x128xf32, #tpu.memory_space<vmem>> -> memref<1x1x16x128xf32, #tpu.memory_space<vmem>>
      %dma_wait3A_60 = tpu.memref_squeeze %dma_wait3A_59 : memref<1x1x16x128xf32, #tpu.memory_space<vmem>> -> memref<16x128xf32, #tpu.memory_space<vmem>>
      %dma_wait3A_61 = arith.constant 0 : i32
      %dma_wait3A_62 = tpu.memref_slice %arg5[%dma_wait3A_61, %multiple_of3A_37] : memref<16x1000000xf32, #tpu.memory_space<hbm>> -> memref<16x128xf32, #tpu.memory_space<hbm>>
      tpu.wait_dma2 semaphore(%arg17 : memref<!tpu.dma_semaphore, #tpu.memory_space<semaphore_mem>>) src(%dma_wait3A_62 : memref<16x128xf32, #tpu.memory_space<hbm>>) dst(%dma_wait3A_60 : memref<16x128xf32, #tpu.memory_space<vmem>>)
      %gather3A_63 = tpu.vector_load_idx %arg11[%broadcast_in_dim3A] : memref<512xi32, #tpu.memory_space<vmem>>[vector<16xi32>], vector<16xi32>,
      %gather3A_64 = tpu.vector_load_idx %arg12[%broadcast_in_dim3A] : memref<512xi32, #tpu.memory_space<vmem>>[vector<16xi32>], vector<16xi32>,
      %gather3A_65 = arith.constant 0 : i32
      %gather3A_66 = arith.constant 0 : i32
      %gather3A_67 = arith.constant 0 : i32
      %gather3A_68 = tpu.memref_slice %arg13[%gather3A_65, %rem3A_33, %gather3A_66, %gather3A_67] : memref<2x24x16x128xf32, #tpu.memory_space<vmem>> -> memref<1x1x16x128xf32, #tpu.memory_space<vmem>>
      %gather3A_69 = tpu.memref_squeeze %gather3A_68 : memref<1x1x16x128xf32, #tpu.memory_space<vmem>> -> memref<16x128xf32, #tpu.memory_space<vmem>>
      %gather3A_70 = tpu.vector_load_idx %gather3A_69[%iota3A, %gather3A_63] : memref<16x128xf32, #tpu.memory_space<vmem>>[vector<16xi32>, vector<16xi32>], vector<16xf32>,
      %gather3A_71 = arith.constant 1 : i32
      %gather3A_72 = arith.constant 0 : i32
      %gather3A_73 = arith.constant 0 : i32
      %gather3A_74 = tpu.memref_slice %arg13[%gather3A_71, %rem3A_33, %gather3A_72, %gather3A_73] : memref<2x24x16x128xf32, #tpu.memory_space<vmem>> -> memref<1x1x16x128xf32, #tpu.memory_space<vmem>>
      %gather3A_75 = tpu.memref_squeeze %gather3A_74 : memref<1x1x16x128xf32, #tpu.memory_space<vmem>> -> memref<16x128xf32, #tpu.memory_space<vmem>>
      %gather3A_76 = tpu.vector_load_idx %gather3A_75[%iota3A, %gather3A_64] : memref<16x128xf32, #tpu.memory_space<vmem>>[vector<16xi32>, vector<16xi32>], vector<16xf32>,
      tpu.vector_store_idx %arg14[%iota3A, %broadcast_in_dim3A], %gather3A_70 : memref<16x512xf32, #tpu.memory_space<vmem>>[vector<16xi32>, vector<16xi32>], vector<16xf32>,
      tpu.vector_store_idx %arg15[%iota3A, %broadcast_in_dim3A], %gather3A_76 : memref<16x512xf32, #tpu.memory_space<vmem>>[vector<16xi32>, vector<16xi32>], vector<16xf32>,
      %scan3A_77 = arith.constant 0 : i32
      scf.yield %scan3A_77 : i32
    }
    %scan3A_29 = arith.constant 23 : i32
    %run_scoped3A = arith.constant 0 : i32
    "tpu.region"() ({
      %run_scoped3A_31 = tpu.sem_alloc : memref<!tpu.dma_semaphore, #tpu.memory_space<semaphore_mem>>
      %dma_start3A = arith.constant 0 : i32
      %dma_start3A_32 = tpu.memref_slice %arg6[%run_scoped3A, %dma_start3A, %mul3A_2] : memref<2x16x16384xf32, #tpu.memory_space<hbm>> -> memref<1x16x512xf32, #tpu.memory_space<hbm>>
      %dma_start3A_33 = tpu.memref_squeeze %dma_start3A_32 : memref<1x16x512xf32, #tpu.memory_space<hbm>> -> memref<16x512xf32, #tpu.memory_space<hbm>>
      %dma_start3A_34 = arith.constant 0 : i32
      %dma_start3A_35 = tpu.memref_slice %arg6[%run_scoped3A, %dma_start3A_34, %mul3A_2] : memref<2x16x16384xf32, #tpu.memory_space<hbm>> -> memref<1x16x512xf32, #tpu.memory_space<hbm>>
      %dma_start3A_36 = tpu.memref_squeeze %dma_start3A_35 : memref<1x16x512xf32, #tpu.memory_space<hbm>> -> memref<16x512xf32, #tpu.memory_space<hbm>>
      tpu.enqueue_dma source(%arg14 : memref<16x512xf32, #tpu.memory_space<vmem>>) target(%dma_start3A_36 : memref<16x512xf32, #tpu.memory_space<hbm>>) target_semaphore(%run_scoped3A_31 : memref<!tpu.dma_semaphore, #tpu.memory_space<semaphore_mem>>)
      %dma_wait3A = arith.constant 0 : i32
      %dma_wait3A_37 = tpu.memref_slice %arg6[%run_scoped3A, %dma_wait3A, %mul3A_2] : memref<2x16x16384xf32, #tpu.memory_space<hbm>> -> memref<1x16x512xf32, #tpu.memory_space<hbm>>
      %dma_wait3A_38 = tpu.memref_squeeze %dma_wait3A_37 : memref<1x16x512xf32, #tpu.memory_space<hbm>> -> memref<16x512xf32, #tpu.memory_space<hbm>>
      %dma_wait3A_39 = arith.constant 0 : i32
      %dma_wait3A_40 = tpu.memref_slice %arg6[%run_scoped3A, %dma_wait3A_39, %mul3A_2] : memref<2x16x16384xf32, #tpu.memory_space<hbm>> -> memref<1x16x512xf32, #tpu.memory_space<hbm>>
      %dma_wait3A_41 = tpu.memref_squeeze %dma_wait3A_40 : memref<1x16x512xf32, #tpu.memory_space<hbm>> -> memref<16x512xf32, #tpu.memory_space<hbm>>
      tpu.wait_dma2 semaphore(%run_scoped3A_31 : memref<!tpu.dma_semaphore, #tpu.memory_space<semaphore_mem>>) src(%arg14 : memref<16x512xf32, #tpu.memory_space<vmem>>) dst(%dma_wait3A_41 : memref<16x512xf32, #tpu.memory_space<hbm>>)
      tpu.yield
    }) : () -> ()
    %run_scoped3A_30 = arith.constant 1 : i32
    "tpu.region"() ({
      %run_scoped3A_31 = tpu.sem_alloc : memref<!tpu.dma_semaphore, #tpu.memory_space<semaphore_mem>>
      %dma_start3A = arith.constant 0 : i32
      %dma_start3A_32 = tpu.memref_slice %arg6[%run_scoped3A_30, %dma_start3A, %mul3A_2] : memref<2x16x16384xf32, #tpu.memory_space<hbm>> -> memref<1x16x512xf32, #tpu.memory_space<hbm>>
      %dma_start3A_33 = tpu.memref_squeeze %dma_start3A_32 : memref<1x16x512xf32, #tpu.memory_space<hbm>> -> memref<16x512xf32, #tpu.memory_space<hbm>>
      %dma_start3A_34 = arith.constant 0 : i32
      %dma_start3A_35 = tpu.memref_slice %arg6[%run_scoped3A_30, %dma_start3A_34, %mul3A_2] : memref<2x16x16384xf32, #tpu.memory_space<hbm>> -> memref<1x16x512xf32, #tpu.memory_space<hbm>>
      %dma_start3A_36 = tpu.memref_squeeze %dma_start3A_35 : memref<1x16x512xf32, #tpu.memory_space<hbm>> -> memref<16x512xf32, #tpu.memory_space<hbm>>
      tpu.enqueue_dma source(%arg15 : memref<16x512xf32, #tpu.memory_space<vmem>>) target(%dma_start3A_36 : memref<16x512xf32, #tpu.memory_space<hbm>>) target_semaphore(%run_scoped3A_31 : memref<!tpu.dma_semaphore, #tpu.memory_space<semaphore_mem>>)
      %dma_wait3A = arith.constant 0 : i32
      %dma_wait3A_37 = tpu.memref_slice %arg6[%run_scoped3A_30, %dma_wait3A, %mul3A_2] : memref<2x16x16384xf32, #tpu.memory_space<hbm>> -> memref<1x16x512xf32, #tpu.memory_space<hbm>>
      %dma_wait3A_38 = tpu.memref_squeeze %dma_wait3A_37 : memref<1x16x512xf32, #tpu.memory_space<hbm>> -> memref<16x512xf32, #tpu.memory_space<hbm>>
      %dma_wait3A_39 = arith.constant 0 : i32
      %dma_wait3A_40 = tpu.memref_slice %arg6[%run_scoped3A_30, %dma_wait3A_39, %mul3A_2] : memref<2x16x16384xf32, #tpu.memory_space<hbm>> -> memref<1x16x512xf32, #tpu.memory_space<hbm>>
      %dma_wait3A_41 = tpu.memref_squeeze %dma_wait3A_40 : memref<1x16x512xf32, #tpu.memory_space<hbm>> -> memref<16x512xf32, #tpu.memory_space<hbm>>
      tpu.wait_dma2 semaphore(%run_scoped3A_31 : memref<!tpu.dma_semaphore, #tpu.memory_space<semaphore_mem>>) src(%arg15 : memref<16x512xf32, #tpu.memory_space<vmem>>) dst(%dma_wait3A_41 : memref<16x512xf32, #tpu.memory_space<hbm>>)
      tpu.yield
    }) : () -> ()
    return
  }
}

</mosaic_0001>

<sc_bundles>
// kernel: kernel.3.cloned.1.call-start
scs
__scs_entry_jumppad:
0x0: {  	(pc) =	sbr.rel $0x88, $3  }
0x1: {  	(tag) =	ssettag $0x0;
	lr =	simm.s32 $0x1  }
0x2: {  	[smem:$0x3F9E] =	sst lr;
	_ =	strace $0xD0000000  }
0x3: {  	_ = 	snop  }
0x4: {  	_ = 	snop  }
0x5: {  	_ = 	snop  }
0x6: {  	_ = 	snop  }
0x7: {  	_ = 	snop  }
__scs_overlays_trampoline_lowered:
0x8: {  	[smem:$0x3FAD] =	sst s0  }
0x9: {  	[smem:$0x3FAE] =	sst s1  }
0xa: {  	[smem:$0x3FAF] =	sst s2  }
0xb: {  	[smem:$0x3FB0] =	sst s3  }
0xc: {  	[smem:$0x3FB1] =	sst s4  }
0xd: {  	[smem:$0x3FB2] =	sst s5  }
0xe: {  	[smem:$0x3FB3] =	sst s6  }
0xf: {  	[smem:$0x3FB4] =	sst s7  }
0x10: {  	[smem:$0x3FB5] =	sst s8  }
0x11: {  	[smem:$0x3FB6] =	sst s9;
	s0 =	simm.s32 @!p0 $0x0  }
0x12: {  	s1 =	sld [smem:$0x3F9C];
	s0 =	simm.s32 @p0 $0x1  }
0x13: {  	[smem:$0x3FB7] =	sst s0;
	s0 =	simm.s32 @!p1 $0x0  }
0x14: {  	s2 =	sld [smem:$0x3F9B];
	s0 =	simm.s32 @p1 $0x1  }
0x15: {  	[smem:$0x3FB8] =	sst s0;
	s0 =	simm.s32 @!p2 $0x0  }
0x16: {  	s3 =	sld [smem:$0x3FDB];
	s0 =	simm.s32 @p2 $0x1  }
0x17: {  	s4 =	simm.s32 $0x1BF5;
	[smem:$0x3FBA] =	sst s0  }
0x18: {  	s0 =	sld [smem:$0x3F9D];
	_ =	swait.ge [sflag:s4], $0x0  }
0x19: {  	s7 =	sld [smem:$0x3F9E]  }
0x1a: {  	s8 =	sadd.s32 $0xFFFFE003, lr  }
0x1b: {  	s9 =	sadd.s32 $0xFFFFFEF7, lr;
	s5 =	simm.s32 $0xFFFFFFFF;
	p2 =	slt.u32 s8, $0xFFFFF086  }
0x1c: {  	p1 =	slt.u32 s9, $0xF7A;
	s5 =	simm.s32 @!p2 $0x0  }
0x1d: {  	s5 =	simm.s32 @p1 $0x1;
	p0 =	seq.s32 s7, s2  }
0x1e: {  	s7 =	smul.u32 @!p0 $0xF7A, s2;
	p2 =	seq.s32 @!p0 s5, $0x0  }
0x1f: {  	s9 =	smul.u32 $0xF7A, s1;
	s8 =	simm.s32 @!p0 $0x1BF5;
	p2 =	por !p2, p0  }
0x20: {  	[sflag:s8] =	ssyncset.s32 @!p0 $0xFFFFF086;
	s6 =	sadd.s32 @!p0 s3, s7;
	s7 =	simm.s32 @!p0 $0x108  }
0x21: {  	s3 =	sadd.s32 s3, s9;
	s6 =	sadd.s32 @!p0 $0x88, s6;
	s7 =	simm.s32 @p2 $0x1082  }
0x22: {  	[simem:s7], [sflag:s8] =	dma.local @!p0 [hbm:s6], $0xF7A  }
0x23: {  	s9 =	sor.u32 $0xD0000000, s2;
	s6 =	simm.s32 $0x108;
	_ =	swait.ge @!p0 [sflag:s8], $0x0  }
0x24: {  	s3 =	sadd.s32 $0x88, s3;
	s6 =	simm.s32 @!p1 $0x1082;
	[sflag:s4] =	ssyncset.s32 $0xFFFFF086  }
0x25: {  	[simem:s6], [sflag:s4] =	dma.local [hbm:s3], $0xF7A  }
0x26: {  	[smem:$0x3F9E] =	sst s1;
	(tag) =	ssettag s2;
	_ =	strace s9  }
0x27: {  	s1 =	sld [smem:$0x3FAE]  }
0x28: {  	s2 =	sld [smem:$0x3FAF]  }
0x29: {  	s4 =	sld [smem:$0x3FB1]  }
0x2a: {  	p0 =	seq.s32 s5, $0x0;
	s5 =	sld [smem:$0x3FB2]  }
0x2b: {  	s6 =	sld [smem:$0x3FB3]  }
0x2c: {  	s7 =	sld [smem:$0x3FB4]  }
0x2d: {  	s3 =	simm.s32 $0x108;
	s8 =	sld [smem:$0x3FB5]  }
0x2e: {  	s3 =	simm.s32 @!p0 $0x1082;
	s9 =	sld [smem:$0x3FB6]  }
0x2f: {  	lr =	sadd.s32 s0, s3;
	s0 =	sld [smem:$0x3FAD]  }
0x30: {  	s3 =	sld [smem:$0x3FB0]  }
0x31: {  	[smem:$0x3FB9] =	sst s10  }
0x32: {  	s10 =	sld [smem:$0x3FB7];
	_ =	sdelay $0x3  }
0x33: {  	p0 =	seq.s32 s10, $0x1;
	s10 =	sld [smem:$0x3FB9];
	_ =	sdelay $0x3  }
0x34: {  	[smem:$0x3FB9] =	sst s10  }
0x35: {  	s10 =	sld [smem:$0x3FB8];
	_ =	sdelay $0x3  }
0x36: {  	p1 =	seq.s32 s10, $0x1;
	s10 =	sld [smem:$0x3FB9];
	_ =	sdelay $0x3  }
0x37: {  	[smem:$0x3FB9] =	sst s10  }
0x38: {  	s10 =	sld [smem:$0x3FBA]  }
0x39: {  	_ = 	snop;
	(pc) =	sbr.ind lr, $3  }
0x3a: {  	_ = 	snop  }
0x3b: {  	_ = 	snop  }
0x3c: {  	p2 =	seq.s32 s10, $0x1;
	s10 =	sld [smem:$0x3FB9]  }
0x3d: {  	_ =	shalt  }
0x3e: {  	_ =	shalt  }
0x3f: {  	_ =	shalt  }
0x40: {  	_ =	shalt  }
0x41: {  	_ =	shalt  }
0x42: {  	_ =	shalt  }
0x43: {  	_ =	shalt  }
0x44: {  	_ =	shalt  }
0x45: {  	_ =	shalt  }
0x46: {  	_ =	shalt  }
0x47: {  	_ =	shalt  }
0x48: {  	_ =	shalt  }
0x49: {  	_ =	shalt  }
0x4a: {  	_ =	shalt  }
0x4b: {  	_ =	shalt  }
0x4c: {  	_ =	shalt  }
0x4d: {  	_ =	shalt  }
0x4e: {  	_ =	shalt  }
0x4f: {  	_ =	shalt  }
0x50: {  	_ =	shalt  }
0x51: {  	_ =	shalt  }
0x52: {  	_ =	shalt  }
0x53: {  	_ =	shalt  }
0x54: {  	_ =	shalt  }
0x55: {  	_ =	shalt  }
0x56: {  	_ =	shalt  }
0x57: {  	_ =	shalt  }
0x58: {  	_ =	shalt  }
0x59: {  	_ =	shalt  }
0x5a: {  	_ =	shalt  }
0x5b: {  	_ =	shalt  }
0x5c: {  	_ =	shalt  }
0x5d: {  	_ =	shalt  }
0x5e: {  	_ =	shalt  }
0x5f: {  	_ =	shalt  }
0x60: {  	_ =	shalt  }
0x61: {  	_ =	shalt  }
0x62: {  	_ =	shalt  }
0x63: {  	_ =	shalt  }
0x64: {  	_ =	shalt  }
0x65: {  	_ =	shalt  }
0x66: {  	_ =	shalt  }
0x67: {  	_ =	shalt  }
0x68: {  	_ =	shalt  }
0x69: {  	_ =	shalt  }
0x6a: {  	_ =	shalt  }
0x6b: {  	_ =	shalt  }
0x6c: {  	_ =	shalt  }
0x6d: {  	_ =	shalt  }
0x6e: {  	_ =	shalt  }
0x6f: {  	_ =	shalt  }
0x70: {  	_ =	shalt  }
0x71: {  	_ =	shalt  }
0x72: {  	_ =	shalt  }
0x73: {  	_ =	shalt  }
0x74: {  	_ =	shalt  }
0x75: {  	_ =	shalt  }
0x76: {  	_ =	shalt  }
0x77: {  	_ =	shalt  }
0x78: {  	_ =	shalt  }
0x79: {  	_ =	shalt  }
0x7a: {  	_ =	shalt  }
0x7b: {  	_ =	shalt  }
0x7c: {  	_ =	shalt  }
0x7d: {  	_ =	shalt  }
0x7e: {  	_ =	shalt  }
0x7f: {  	_ =	shalt  }
0x80: {  	_ =	shalt  }
0x81: {  	_ =	shalt  }
0x82: {  	_ =	shalt  }
0x83: {  	_ =	shalt  }
0x84: {  	_ =	shalt  }
0x85: {  	_ =	shalt  }
0x86: {  	_ =	shalt  }
0x87: {  	_ =	shalt  }
.Lfunc_end0:
.L_simem_size_0:
called_computation_lowered:
.L_overlay_start_0:
0x88: {  	s2 =	sld [smem:$0x3FD9]  }
0x89: {  	s3 =	sld [smem:$0x3FFE];
	_ =	sdelay $0x1  }
0x8a: {  	s1 =	srdreg.scid  }
0x8b: {  	s0 =	sand.u32 $0x1, s1  }
0x8c: {  	s17 =	sshll.u32 s0, $0xA;
	s2 =	sadd.s32 s3, s2  }
0x8d: {  	s2 =	sadd.s32 s2, s17  }
0x8e: {  	[smem:$0x3FC5] =	sst s2  }
0x8f: {  	_ = 	snop  }
0x90: {  	s2 =	sld [smem:$0x3FC8]  }
0x91: {  	s18 =	sld [smem:$0x3FC7]  }
0x92: {  	s4 =	sld [smem:$0x3FD0];
	(tm) =	ssettm $0x1  }
0x93: {  	s5 =	sld [smem:$0x3FFB];
	_ =	sdelay $0x3  }
0x94: {  	_ =	strace s5  }
0x95: {  	s5 =	sld [smem:$0x3FFC];
	_ =	sdelay $0x3  }
0x96: {  	_ =	strace s5  }
0x97: {  	s5 =	sld [smem:$0x3FFD];
	_ =	sdelay $0x3  }
0x98: {  	_ =	strace s5  }
0x99: {  	_ =	strace $0x8FFFFFFF  }
0x9a: {  	s19 =	sld [smem:$0x3FDB];
	_ =	sdelay $0x1  }
0x9b: {  	s6 =	simm.s32 $_scs_section_size  }
0x9c: {  	s7 =	simm.s32 $_size__tile_overlayer_lowered;
	s8 =	simm.s32 $_tile_overlayer_lowered  }
0x9d: {  	s22 =	simm.s32 $0x1BFF;
	s21 =	sshll.u32 s8, $0x1;
	s5 =	sadd.s32 s6, s19  }
0x9e: {  	s9 =	simm.s32 $0x0;
	s20 =	sshll.u32 s7, $0x1;
	s7 =	sadd.s32 s21, s5  }
0x9f: {  	[timem:s9], [sflag:s22] =	dma.local [hbm:s7], s20  }
0xa0: {  	_ =	swait.ge [sflag:s22], s20  }
0xa1: {  	s6 =	ssub.s32 $0x0, s20;
	[sflag:s22] =	ssyncset.done $0x0  }
0xa2: {  	[sflag:s22] =	ssyncadd.s32 s6;
	_ =	sdelay $0x1  }
0xa3: {  	s23 =	simm.s32 $0x1B8B  }
0xa4: {  	_ =	swait.ge [sflag:s23], $0x1  }
0xa5: {  	[sflag:s23] =	ssyncset.done $0x0  }
0xa6: {  	s25 =	simm.s32 $0x1B8E;
	s24 =	sld [smem:$0x3FFE];
	[sflag:s23] =	ssyncadd.s32 $0xFFFFFFFF  }
0xa7: {  	s26 =	simm.s32 $execute0_lowered;
	[smem:$0x3FD2] =	sst s25  }
0xa8: {  	s7 =	sshll.u32 s26, $0x1;
	_ =	strace $0x80000046;
	[dreg:$0x1] =	wrdreg $0xFFFFFFFF  }
0xa9: {  	s28 =	simm.s32 $_size_execute0_lowered;
	s5 =	sadd.s32 s5, s7;
	[dreg:$0x0] =	wrdreg $0x0  }
0xaa: {  	s7 =	sshll.u32 s28, $0x1;
	[dreg:$0x2] =	wrdreg s5  }
0xab: {  	[dreg:$0x3] =	wrdreg s7  }
0xac: {  	[dreg:$0x4] =	wrdreg $0xC0  }
0xad: {  	_ =	task [dreg:s9], $0x5FFFF  }
0xae: {  	[dreg:$0x1] =	wrdreg $0xFFFFFFFF  }
0xaf: {  	[dreg:$0x0] =	wrdreg $0x60  }
0xb0: {  	[dreg:$0x2] =	wrdreg s24  }
0xb1: {  	[dreg:$0x3] =	wrdreg s2  }
0xb2: {  	[dreg:$0x4] =	wrdreg s18  }
0xb3: {  	[dreg:$0x5] =	wrdreg s4  }
0xb4: {  	[dreg:$0x6] =	wrdreg $0x9  }
0xb5: {  	_ =	task.clear_ibuf [dreg:s9], $0x7FFFF;
	_ =	strace $0x90000046  }
0xb6: {  	s29 =	simm.s32 $0x9;
	_ =	strace $0x80000048  }
0xb7: {  	_ =	swait.ge [sflag:s29], $0x1  }
0xb8: {  	[sflag:s29] =	ssyncadd.s32 $0xFFFFFFFF  }
0xb9: {  	_ =	strace $0x90000048  }
0xba: {  	_ =	sfence  }
0xbb: {  	s30 =	sld [smem:$0x0];
	_ =	sdelay $0x2  }
0xbc: {  	s31 =	sshll.u32 s1, $0xD;
	s1 =	sshrl.u32 s1, $0x2  }
0xbd: {  	s3 =	sand.u32 $0x4000, s31;
	s1 =	sadd.s32 s1, s30  }
0xbe: {  	s0 =	sor.u32 s3, s0;
	s1 =	sshll.u32 s1, $0x11  }
0xbf: {  	s0 =	sor.u32 s1, s0  }
0xc0: {  	s0 =	sadd.s32 $0x8F2B, s0  }
0xc1: {  	[sflag:s0] =	ssyncadd.remote.s32 $0x1  }
0xc2: {  	_ =	sfence.sel $0xFFFF  }
0xc3: {  	[dreg:$0x0] =	wrdreg $0xFFFFFFFF;
	(pc) =	sbr.abs _section_cstart, $3  }
0xc4: {  	[dreg:$0x1] =	wrdreg $0xFFFFFFFF  }
0xc5: {  	_ =	task.clear_ibuf [dreg:s9], $0x2FFFF;
	_ =	strace $0x9FFFFFFF  }
0xc6: {  	(tm) =	ssettm $0x7FFFFFFF  }
0xc7: {  	_ =	shalt  }
tec
execute0_lowered:
.L_overlay_start_1:
0x0: {  	(tag) =	ssettag $0x1  }
0x1: {  	v0 =	vimm.s32 $0x1380;
	vm0 =	vcmask $0x300  }
0x2: {  	s5 =	rddreg [dreg:$0x0];
	vm14 =	vcmask $0x704;
	v0 =	vsel vm0, $0x0, v0  }
0x3: {  	s0 =	rddreg [dreg:$0x1];
	vm15 =	vcmask $0xB08;
	v0 =	vsel vm14, $0x80, v0  }
0x4: {  	s1 =	rddreg [dreg:$0x2];
	vm4 =	vcmask $0xF0C;
	v0 =	vsel vm15, $0x100, v0  }
0x5: {  	s6 =	rddreg [dreg:$0x3];
	s4 =	srdreg.scid;
	vm5 =	vcmask $0x1310;
	v0 =	vsel vm4, $0x180, v0  }
0x6: {  	s2 =	rddreg [dreg:$0x4];
	s3 =	stileid.u32;
	vm6 =	vcmask $0x1714;
	s11 =	simm.s32 $0x200;
	v0 =	vsel vm5, $0x200, v0  }
0x7: {  	vm7 =	vcmask $0x1B18;
	s12 =	simm.s32 $0x400;
	s13 =	simm.s32 $0x600;
	s14 =	simm.s32 $0x7A1400;
	v0 =	vsel vm6, $0x280, v0  }
0x8: {  	vm8 =	vcmask $0x1F1C;
	s15 =	simm.s32 $0x1;
	s16 =	simm.s32 $0x2;
	s17 =	simm.s32 $0x800;
	v0 =	vsel vm7, $0x300, v0  }
0x9: {  	vm9 =	vcmask $0x2320;
	s18 =	simm.s32 $0xA00;
	s19 =	simm.s32 $0x18C00;
	s20 =	simm.s32 $0x1AC00;
	v0 =	vsel vm8, $0x380, v0  }
0xa: {  	vm10 =	vcmask $0x2724;
	s21 =	simm.s32 $0x1000;
	s22 =	simm.s32 $0x20000;
	s7 =	sand.u32 $0x1, s4;
	v0 =	vsel vm9, $0x1000, v0  }
0xb: {  	vm11 =	vcmask $0x2B28;
	s23 =	simm.s32 $0x0;
	s8 =	sshll.u32 s3, $0xA;
	s9 =	sshll.u32 s7, $0x9;
	v0 =	vsel vm10, $0x1080, v0  }
0xc: {  	vm12 =	vcmask $0x2F2C;
	s4 =	simm.s32 $0x0;
	s7 =	ssub.s32 $0x2, s7;
	s8 =	sor.u32 s9, s8;
	v0 =	vsel vm11, $0x1100, v0  }
0xd: {  	vm13 =	vcmask $0x3330;
	[smem:$0x7FF] =	sst s4;
	s10 =	sshrl.u32 s7, $0x1;
	s9 =	sshrl.u32 s8, $0x3;
	v0 =	vsel vm12, $0x1180, v0  }
0xe: {  	vm14 =	vcmask $0x3734;
	_ =	strace $0x80000047;
	s10 =	ssub.s32 s7, s10;
	s9 =	sadd.s32 s9, s5;
	v0 =	vsel vm13, $0x1200, v0  }
0xf: {  	v1 =	vlaneseq.u32;
	vm15 =	vcmask $0x3B38;
	s5 =	sadd.s32 s6, s8;
	s6 =	sadd.s32 $0xE00, s9;
	s7 =	sadd.s32 $0x600, s9;
	v2 =	vsel vm14, $0x1280, v0  }
0x10: {  	s8 =	sadd.s32 $0x8000, s5;
	s9 =	smax.u32 s10, $0x1;
	s10 =	simm.s32 $0x3;
	v0 =	vmul.u32 $0x80, v1;
	v1 =	vsel vm15, $0x1300, v2  }
.LBB2_1:
0x11: {  	[tilespmem:s4], [sflag:$0x3] =	stream.linear.gather [hbm4b:s6+s4], $0x200, $0x38;
	[tilespmem:$0x1CC00] =	vst v63  }
0x12: {  	_ =	swait.ge [sflag:s10], $0x200  }
0x13: {  	[sflag:s10] =	ssyncset.done $0x0  }
0x14: {  	[sflag:s10] =	ssyncadd.s32 $0xFFFFFE00  }
0x15: {  	[tilespmem:s11], [sflag:$0x3] =	stream.linear.gather [hbm4b:s7+s4], $0x200, $0x38;
	[tilespmem:$0x1CC00] =	vst v63  }
0x16: {  	_ =	swait.ge [sflag:s10], $0x200  }
0x17: {  	[sflag:s10] =	ssyncset.done $0x0  }
0x18: {  	s25 =	simm.s32 $0x0;
	[sflag:s10] =	ssyncadd.s32 $0xFFFFFE00  }
0x19: {  	v2 =	vld [tilespmem:s25+$0x200]  }
0x1a: {  	v3 =	vld [tilespmem:s25+$0x0];
	_ =	sdelay $0x1  }
0x1b: {  	s24 =	simm.s32 $0x40  }
.LBB2_2:
0x1c: {  	p0 =	sne.s32 s24, $0x7C0  }
.Ltmp0:
0x1d: {  	s26 =	sshra.s32 s24, $0x2;
	s24 =	sadd.s32 $0x40, s24;
	v4 =	vand.u32 $0xFFFFFF80, v2;
	v5 =	vand.u32 $0x7F, v2;
	(pc) =	sbr.rel @p0 .LBB2_2-.Ltmp0, $4  }
0x1e: {  	v2 =	vld [tilespmem:s26+$0x200];
	v6 =	vand.u32 $0xFFFFFF80, v3;
	v7 =	vand.u32 $0x7F, v3;
	[tilespmem:s25+$0xA00] =	vst v5  }
0x1f: {  	v3 =	vld [tilespmem:s26+$0x0];
	[tilespmem:s25+$0x400] =	vst v6  }
0x20: {  	[tilespmem:s25+$0x600] =	vst v4  }
0x21: {  	[tilespmem:s25+$0x800] =	vst v7;
	s25 =	smov.u32 s26  }
0x22: {  	s24 =	simm.s32 $0x0  }
0x23: {  	v4 =	vand.u32 $0x7F, v2;
	v5 =	vmov s24  }
0x24: {  	v2 =	vand.u32 $0xFFFFFF80, v2;
	[tilespmem:s25+$0xA00] =	vst v4  }
0x25: {  	v63 =	vand.u32 $0xFFFFFF80, v3;
	[tilespmem:s25+$0x600] =	vst v2  }
0x26: {  	v3 =	vand.u32 $0x7F, v3;
	[tilespmem:s25+$0x400] =	vst v63  }
0x27: {  	[tilespmem:s25+$0x800] =	vst v3  }
0x28: {  	v2 =	vld.idx.msk [tilespmem:v5+s12+$0x0], $0xffff  }
0x29: {  	v3 =	vld.idx.msk [tilespmem:v5+s13+$0x0], $0xffff;
	_ =	sdelay $0x3  }
0x2a: {  	(v2sf) =	vpush v2, $0x0  }
0x2b: {  	(v2sf) =	vpush v3, $0x0;
	_ =	sdelay $0xd  }
0x2c: {  	s26 =	simm.s32 $0x1;
	s25 =	simm.s32 $0xC00;
	s28 =	spop (v2sf)  }
0x2d: {  	v2 =	vmov s26;
	s26 =	simm.s32 $0x2;
	s28 =	sand.u32 $0xFFFFF80, s28;
	s29 =	spop (v2sf)  }
.LBB2_4:
0x2e: {  	p0 =	sne.s32 s26, $0x16;
	s28 =	sadd.s32 s0, s28;
	s29 =	sand.u32 $0xFFFFF80, s29  }
0x2f: {  	[tilespmem:s25], [sflag:$0x1] =	stream.strided.gather [hbm4b:s28+s12], $0x800, s14, s12, $0x38;
	[tilespmem:$0x1CC00] =	vst v63  }
0x30: {  	s28 =	sadd.s32 $0xC000, s25;
	s29 =	sadd.s32 s1, s29  }
0x31: {  	[tilespmem:s28], [sflag:$0x2] =	stream.strided.gather [hbm4b:s29+s12], $0x800, s14, s12, $0x38;
	[tilespmem:$0x1CC00] =	vst v63  }
0x32: {  	v3 =	vld.idx.msk [tilespmem:v2+s12+$0x0], $0xffff  }
0x33: {  	v2 =	vld.idx.msk [tilespmem:v2+s13+$0x0], $0xffff;
	_ =	sdelay $0x4  }
0x34: {  	(v2sf) =	vpush v3, $0x0  }
0x35: {  	(v2sf) =	vpush v2, $0x0;
	_ =	sdelay $0xa  }
.Ltmp1:
0x36: {  	(pc) =	sbr.rel @p0 .LBB2_4-.Ltmp1, $3  }
0x37: {  	_ =	sdelay $0x1  }
0x38: {  	s25 =	sadd.s32 $0x800, s25;
	s28 =	spop (v2sf)  }
0x39: {  	v2 =	vmov s26;
	s26 =	sadd.s32 $0x1, s26;
	s28 =	sand.u32 $0xFFFFF80, s28;
	s29 =	spop (v2sf)  }
0x3a: {  	s26 =	sadd.s32 s0, s28;
	s30 =	sand.u32 $0xFFFFF80, s29  }
0x3b: {  	[tilespmem:s25], [sflag:$0x1] =	stream.strided.gather [hbm4b:s26+s12], $0x800, s14, s12, $0x38;
	[tilespmem:$0x1CC00] =	vst v63  }
0x3c: {  	s31 =	sadd.s32 $0xC000, s25;
	s28 =	sadd.s32 s1, s30  }
0x3d: {  	[tilespmem:s31], [sflag:$0x2] =	stream.strided.gather [hbm4b:s28+s12], $0x800, s14, s12, $0x38;
	[tilespmem:$0x1CC00] =	vst v63  }
0x3e: {  	v3 =	vld.idx.msk [tilespmem:v2+s12+$0x0], $0xffff  }
0x3f: {  	v2 =	vld.idx.msk [tilespmem:v2+s13+$0x0], $0xffff;
	_ =	sdelay $0x3  }
0x40: {  	(v2sf) =	vpush v3, $0x0  }
0x41: {  	(v2sf) =	vpush v2, $0x0;
	_ =	sdelay $0xd  }
0x42: {  	s28 =	spop (v2sf)  }
0x43: {  	s26 =	sand.u32 $0xFFFFF80, s28;
	s29 =	spop (v2sf)  }
0x44: {  	s30 =	sadd.s32 $0x800, s25;
	s26 =	sadd.s32 s0, s26;
	s28 =	sand.u32 $0xFFFFF80, s29  }
0x45: {  	[tilespmem:s30], [sflag:$0x1] =	stream.strided.gather [hbm4b:s26+s12], $0x800, s14, s12, $0x38;
	[tilespmem:$0x1CC00] =	vst v63  }
0x46: {  	s25 =	sadd.s32 $0xC000, s30;
	s31 =	sadd.s32 s1, s28  }
0x47: {  	[tilespmem:s25], [sflag:$0x2] =	stream.strided.gather [hbm4b:s31+s12], $0x800, s14, s12, $0x38;
	[tilespmem:$0x1CC00] =	vst v63  }
.LBB2_6:
0x48: {  	s25 =	sadd.s32 $0x17, s24  }
0x49: {  	v2 =	vmov s25;
	_ =	sdelay $0x4  }
0x4a: {  	v3 =	vld.idx.msk [tilespmem:v2+s12+$0x0], $0xffff;
	_ =	sdelay $0x3  }
0x4b: {  	v2 =	vld.idx.msk [tilespmem:v2+s13+$0x0], $0xffff  }
0x4c: {  	(v2sf) =	vpush v3, $0x0;
	_ =	sdelay $0x3  }
0x4d: {  	(v2sf) =	vpush v2, $0x0;
	_ =	sdelay $0x5  }
0x4e: {  	s26 =	smul.u32 $0xAAAB, s25;
	_ =	sdelay $0x1  }
0x4f: {  	s26 =	sshrl.u32 s26, $0x11  }
0x50: {  	s26 =	sand.u32 $0x18, s26  }
0x51: {  	s25 =	sadd.s32 s26, s25  }
0x52: {  	s25 =	sshll.u32 s25, $0xB;
	s31 =	spop (v2sf)  }
0x53: {  	s25 =	sand.u32 $0xF800, s25;
	s26 =	sand.u32 $0xFFFFF80, s31  }
0x54: {  	s28 =	sadd.s32 $0xC00, s25;
	s26 =	sadd.s32 s0, s26  }
0x55: {  	[tilespmem:s28], [sflag:$0x1] =	stream.strided.gather [hbm4b:s26+s12], $0x800, s14, s12, $0x38;
	[tilespmem:$0x1CC00] =	vst v63  }
0x56: {  	s28 =	spop (v2sf)  }
0x57: {  	s26 =	sand.u32 $0xFFFFF80, s28  }
0x58: {  	s25 =	sadd.s32 $0xCC00, s25;
	s26 =	sadd.s32 s1, s26  }
0x59: {  	[tilespmem:s25], [sflag:$0x2] =	stream.strided.gather [hbm4b:s26+s12], $0x800, s14, s12, $0x38;
	[tilespmem:$0x1CC00] =	vst v63  }
0x5a: {  	_ =	swait.ge [sflag:s15], $0x800  }
0x5b: {  	v2 =	vmov s24;
	[sflag:s15] =	ssyncset.done $0x0  }
0x5c: {  	[sflag:s15] =	ssyncadd.s32 $0xFFFFF800  }
0x5d: {  	_ =	swait.ge [sflag:s16], $0x800  }
0x5e: {  	[sflag:s16] =	ssyncset.done $0x0  }
0x5f: {  	s29 =	smul.u32 $0x2AAB, s24;
	[sflag:s16] =	ssyncadd.s32 $0xFFFFF800  }
0x60: {  	v3 =	vld.idx.msk [tilespmem:v2+s17+$0x0], $0xffff  }
0x61: {  	s30 =	sshrl.u32 s29, $0x1F;
	s25 =	sshra.s32 s29, $0x12;
	v4 =	vld.idx.msk [tilespmem:v2+s18+$0x0], $0xffff  }
0x62: {  	s25 =	sadd.s32 s30, s25  }
0x63: {  	s25 =	smul.u32 $0x18, s25;
	_ =	sdelay $0x1  }
0x64: {  	s25 =	ssub.s32 s24, s25;
	v3 =	vadd.s32 v0, v3  }
0x65: {  	s25 =	sshll.u32 s25, $0x10;
	v4 =	vadd.s32 v0, v4  }
0x66: {  	v5 =	vshll.u32 v2, $0x3;
	s25 =	sshra.s32 s25, $0x10  }
0x67: {  	v5 =	vand.u32 $0xFFFFFC00, v5;
	s25 =	sshll.u32 s25, $0xD;
	v2 =	vand.u32 $0x7F, v2  }
0x68: {  	s25 =	sshra.s32 s25, $0x2;
	v2 =	vor.u32 v2, v5  }
0x69: {  	v2 =	vadd.s32 v1, v2;
	v3 =	vld.idx.msk [tilespmem:v3+s25+$0xC00], $0xffff  }
0x6a: {  	p0 =	sne.s32 s24, $0x1E8;
	v4 =	vld.idx.msk [tilespmem:v4+s25+$0xCC00], $0xffff  }
.Ltmp2:
0x6b: {  	_ = 	snop;
	(pc) =	sbr.rel @p0 .LBB2_6-.Ltmp2, $3  }
0x6c: {  	_ =	sdelay $0x1  }
0x6d: {  	s31 =	sadd.s32 $0x1, s24;
	[tilespmem:v2+s19+$0x0] =	vst.idx.msk $0xffff, v3  }
0x6e: {  	s24 =	smov.u32 s31;
	[tilespmem:v2+s20+$0x0] =	vst.idx.msk $0xffff, v4  }
0x6f: {  	s24 =	simm.s32 $0x1E9;
	_ =	swait.ge [sflag:s15], $0x800  }
0x70: {  	v2 =	vmov s24;
	[sflag:s15] =	ssyncset.done $0x0  }
0x71: {  	[sflag:s15] =	ssyncadd.s32 $0xFFFFF800  }
0x72: {  	_ =	swait.ge [sflag:s16], $0x800  }
0x73: {  	[sflag:s16] =	ssyncset.done $0x0  }
0x74: {  	[sflag:s16] =	ssyncadd.s32 $0xFFFFF800  }
0x75: {  	v3 =	vld.idx.msk [tilespmem:v2+s17+$0x0], $0xffff  }
0x76: {  	v4 =	vld.idx.msk [tilespmem:v2+s18+$0x0], $0xffff;
	_ =	sdelay $0x1  }
0x77: {  	s24 =	smul.u32 $0xAAAB, s24;
	_ =	sdelay $0x1  }
0x78: {  	s24 =	sshrl.u32 s24, $0x11;
	v3 =	vadd.s32 v0, v3  }
0x79: {  	s24 =	sand.u32 $0x18, s24;
	v4 =	vadd.s32 v0, v4  }
0x7a: {  	v5 =	vshll.u32 v2, $0x3;
	s24 =	sadd.s32 $0x1E9, s24  }
0x7b: {  	v5 =	vand.u32 $0xC00, v5;
	v2 =	vand.u32 $0x7F, v2;
	s24 =	sshll.u32 s24, $0xB  }
0x7c: {  	v2 =	vor.u32 v5, v2;
	s24 =	sand.u32 $0xF800, s24  }
0x7d: {  	v5 =	vld.idx.msk [tilespmem:v3+s24+$0xC00], $0xffff;
	v3 =	vor.u32 v1, v2  }
0x7e: {  	v2 =	vld.idx.msk [tilespmem:v4+s24+$0xCC00], $0xffff;
	_ =	sdelay $0x3  }
0x7f: {  	s24 =	simm.s32 $0x1EA;
	[tilespmem:v3+s19+$0x0] =	vst.idx.msk $0xffff, v5  }
.LBB2_8:
0x80: {  	p0 =	sne.s32 s24, $0x1FF;
	[tilespmem:v3+s20+$0x0] =	vst.idx.msk $0xffff, v2;
	s25 =	smov.u32 s24;
	s24 =	sadd.s32 $0x1, s24  }
0x81: {  	_ =	swait.ge [sflag:s15], $0x800  }
0x82: {  	v2 =	vmov s25;
	[sflag:s15] =	ssyncset.done $0x0  }
0x83: {  	v3 =	vshll.u32 v2, $0x3;
	[sflag:s15] =	ssyncadd.s32 $0xFFFFF800  }
0x84: {  	v4 =	vand.u32 $0x7F, v2;
	v3 =	vand.u32 $0xC00, v3;
	_ =	swait.ge [sflag:s16], $0x800  }
0x85: {  	v3 =	vor.u32 v3, v4;
	[sflag:s16] =	ssyncset.done $0x0  }
0x86: {  	[sflag:s16] =	ssyncadd.s32 $0xFFFFF800  }
0x87: {  	v4 =	vld.idx.msk [tilespmem:v2+s17+$0x0], $0xffff  }
0x88: {  	v2 =	vld.idx.msk [tilespmem:v2+s18+$0x0], $0xffff;
	_ =	sdelay $0x2  }
0x89: {  	s26 =	smul.u32 $0xAAAB, s25;
	_ =	sdelay $0x1  }
0x8a: {  	s26 =	sshrl.u32 s26, $0x11;
	v4 =	vadd.s32 v0, v4  }
0x8b: {  	s26 =	sand.u32 $0x18, s26;
	v2 =	vadd.s32 v0, v2  }
0x8c: {  	s25 =	sadd.s32 s26, s25  }
0x8d: {  	s25 =	sshll.u32 s25, $0xB  }
0x8e: {  	s25 =	sand.u32 $0xF800, s25  }
0x8f: {  	v4 =	vld.idx.msk [tilespmem:v4+s25+$0xC00], $0xffff  }
0x90: {  	v3 =	vor.u32 v1, v3;
	v2 =	vld.idx.msk [tilespmem:v2+s25+$0xCC00], $0xffff  }
.Ltmp3:
0x91: {  	(pc) =	sbr.rel @p0 .LBB2_8-.Ltmp3, $2  }
0x92: {  	_ =	sdelay $0x2  }
0x93: {  	[tilespmem:v3+s19+$0x0] =	vst.idx.msk $0xffff, v4  }
0x94: {  	_ =	sdelay $0x3  }
0x95: {  	[tilespmem:v3+s20+$0x0] =	vst.idx.msk $0xffff, v2  }
0x96: {  	[hbm4b:s5+s21] =	stream.strided.scatter [tilespmem:s19], [sflag:$0x3], $0x2000, s22, s21, $0x38;
	[tilespmem:$0x1CC00] =	vst v63  }
0x97: {  	s23 =	sadd.s32 $0x1, s23;
	_ =	swait.ge [sflag:s10], $0x2000  }
0x98: {  	p0 =	sne.s32 s23, s9;
	[sflag:s10] =	ssyncset.done $0x0  }
.Ltmp4:
0x99: {  	[sflag:s10] =	ssyncadd.s32 $0xFFFFE000;
	(pc) =	sbr.rel @p0 .LBB2_1-.Ltmp4, $4  }
0x9a: {  	[hbm4b:s8+s21] =	stream.strided.scatter [tilespmem:s20], [sflag:$0x3], $0x2000, s22, s21, $0x38;
	[tilespmem:$0x1CC00] =	vst v63  }
0x9b: {  	_ =	swait.ge [sflag:s10], $0x2000  }
0x9c: {  	[sflag:s10] =	ssyncset.done $0x0  }
0x9d: {  	[sflag:s10] =	ssyncadd.s32 $0xFFFFE000  }
0x9e: {  	_ =	sfence.sel $0x180000  }
0x9f: {  	[bflag:$0x0] =	sbarrier.arrive $0xFFFF  }
0xa0: {  	p0 =	sne.s32 s3, $0x0;
	_ =	strace $0x90000047  }
0xa1: {  	s0 =	sadd.s32 @!p0 $0x100000, s2;
	[bflag:$0x2] =	sbarrier.arrive $0xFFFF  }
0xa2: {  	[sflag:s0] =	ssyncadd.tile.s32 @!p0 $0x1;
	_ =	shalt  }
.Lfunc_end2:
_tile_overlayer_lowered:
.L_overlay_start_2:
0xa3: {  	(tag) =	ssettag $0x2  }
0xa4: {  	s0 =	rddreg [dreg:$0x0];
	s2 =	stileid.u32  }
0xa5: {  	s1 =	rddreg [dreg:$0x1];
	p0 =	sne.s32 s2, $0x0  }
0xa6: {  	s3 =	rddreg [dreg:$0x2];
	[bflag:$0x3] =	sbarrier.arrive $0xFFFF;
	s2 =	simm.s32 @!p0 $0x1C03  }
0xa7: {  	[timem:s3], [sflag:s2] =	dma.local @!p0 [hbm:s0], s1  }
0xa8: {  	s0 =	simm.s32 @!p0 $0x3  }
0xa9: {  	_ =	swait.ge @!p0 [sflag:s0], s1  }
0xaa: {  	s1 =	ssub.s32 @!p0 $0x0, s1;
	[sflag:s0] =	ssyncset.done @!p0 $0x0  }
0xab: {  	[sflag:s0] =	ssyncadd.s32 @!p0 s1  }
0xac: {  	[bflag:$0x3] =	sbarrier.arrive $0xFFFF  }
0xad: {  	_ =	shalt  }

</sc_bundles>
